<compile_context>
chip_gen: v7x
topology: tpu7x:2x2x1
jax: 0.10.2.dev20260603
libtpu: 0.0.44.dev20260713+nightly
codegen_flags: <defaults>
</compile_context>

<pallas_src>
import functools

import jax
import jax.numpy as jnp
from jax import lax
from jax.experimental import pallas as pl
from jax.experimental.pallas import tpu as pltpu
from jax.experimental.pallas import tpu_sc as plsc

_CHUNK = 64


def kernel(x, indices, emb_weight):
    B, S, D = x.shape
    rows = B * S
    xf = x.reshape(rows, D)
    idx_flat = jnp.tile(indices, B)
    emb = emb_weight.reshape(D)

    info = plsc.get_sparse_core_info()
    NC, NS, L = info.num_cores, info.num_subcores, info.num_lanes
    NW = NC * NS
    rows_w = rows // NW

    mesh = plsc.VectorSubcoreMesh(core_axis_name="c", subcore_axis_name="s")

    @functools.partial(
        pl.kernel,
        mesh=mesh,
        out_type=jax.ShapeDtypeStruct((rows, D), jnp.float32),
        scratch_types=[
            pltpu.VMEM((rows_w,), jnp.int32),
            pltpu.VMEM((D,), jnp.float32),
            pltpu.VMEM((_CHUNK, D), jnp.float32),
        ],
    )
    def k(x_hbm, idx_hbm, emb_hbm, out_hbm, idx_v, emb_v, xv):
        wid = lax.axis_index("s") * NC + lax.axis_index("c")
        base = wid * rows_w
        pltpu.sync_copy(idx_hbm.at[pl.ds(base, rows_w)], idx_v)
        pltpu.sync_copy(emb_hbm, emb_v)

        def chunk_body(c, carry):
            row0 = base + c * _CHUNK
            pltpu.sync_copy(x_hbm.at[pl.ds(row0, _CHUNK)], xv)

            def group_body(g, carry):
                idx_vec = idx_v[pl.ds(c * _CHUNK + g * L, L)]
                one_v = jnp.full((L,), 1, jnp.int32)
                scales = (idx_vec - one_v).astype(jnp.float32)

                def row_body(rr, carry):
                    r = g * L + rr
                    sel = jnp.full((L, 1), rr, jnp.int32)
                    scale = lax.gather(
                        scales,
                        sel,
                        dimension_numbers=lax.GatherDimensionNumbers(
                            offset_dims=(),
                            collapsed_slice_dims=(0,),
                            start_index_map=(0,),
                        ),
                        slice_sizes=(1,),
                        mode=lax.GatherScatterMode.PROMISE_IN_BOUNDS,
                    )

                    def col_body(j, carry):
                        sl = pl.ds(j * L, L)
                        xv[r, sl] = xv[r, sl] + scale * emb_v[sl]
                        return carry

                    return lax.fori_loop(0, D // L, col_body, carry)

                return lax.fori_loop(0, L, row_body, carry)

            carry = lax.fori_loop(0, _CHUNK // L, group_body, carry)
            pltpu.sync_copy(xv, out_hbm.at[pl.ds(row0, _CHUNK)])
            return carry

        lax.fori_loop(0, rows_w // _CHUNK, chunk_body, 0)

    out = k(xf, idx_flat, emb)
    return out.reshape(B, S, D)

# --- scband reference (transcript-rebuilt; emitter-appended) ---
"""Pipeline reference for scband-linear-learned-depth-positional-encoder-44942537786225 (READ-ONLY COPY).

The authoritative reference and input builder live on the scoring server;
editing this copy changes nothing except your own understanding.
"""

import jax, jax.numpy as jnp
import numpy as np

N_EMBD = 1024


def setup_inputs(seed: int = 0) -> dict:
    key = jax.random.key(seed)
    k1, k2, k3 = jax.random.split(key, 3)
    x = jax.random.normal(k1, (4, 2048, N_EMBD), dtype=jnp.float32)
    indices = jax.random.randint(k2, (2048,), 0, 2048, dtype=jnp.int32)
    # learned parameter: nn.Embedding(1, n_embd) weight, N(0,1) init like torch default
    emb_weight = jax.random.normal(k3, (1, N_EMBD), dtype=jnp.float32)
    return {"x": x, "indices": indices, "emb_weight": emb_weight}


def reference(x, indices, emb_weight):
    # emb = embs(zeros_like(indices)) * (indices - 1).unsqueeze(-1)
    zero_idx = jnp.zeros_like(indices)
    emb = jnp.take(emb_weight, zero_idx, axis=0) * (indices - 1).astype(x.dtype)[:, None]  # [S, D]
    # emb.view([1]*(len(x.shape)-2) + list(emb.shape)).expand(*x.shape)
    n_lead = len(x.shape) - 2
    emb = emb.reshape((1,) * n_lead + emb.shape)
    emb = jnp.broadcast_to(emb, x.shape)
    return x + emb

if __name__ == "__main__":
    import jax
    _d = setup_inputs()
    print(jax.jit(kernel)(*tuple(_d.values())))

</pallas_src>

<mosaic_0001>
#map = affine_map<(d0, d1) -> (0, 0)>
#map1 = affine_map<(d0, d1) -> (0)>
module attributes {stable_mosaic.version = 14 : i64} {
  func.func @k(%arg0: i32, %arg1: i32, %arg2: memref<8192x1024xf32, #tpu.memory_space<hbm>>, %arg3: memref<8192xi32, #tpu.memory_space<hbm>>, %arg4: memref<1024xf32, #tpu.memory_space<hbm>>, %arg5: memref<8192x1024xf32, #tpu.memory_space<hbm>>, %arg6: memref<256xi32, #tpu.memory_space<vmem>>, %arg7: memref<1024xf32, #tpu.memory_space<vmem>>, %arg8: memref<64x1024xf32, #tpu.memory_space<vmem>>) attributes {dimension_semantics = [#tpu.dimension_semantics<core_parallel>, #tpu.dimension_semantics<subcore_parallel>], iteration_bounds = array<i64: 2, 16>, scalar_prefetch = 0 : i64, scratch_operands = 3 : i64, tpu.core_type = #tpu.core_type<sc_vector_subcore>, window_params = [{transform_indices = #map}, {transform_indices = #map1}, {transform_indices = #map1}, {transform_indices = #map}]} {
    %mul3A = arith.constant 2 : i32
    %mul3A_0 = arith.muli %arg1, %mul3A : i32
    %add3A = arith.addi %mul3A_0, %arg0 : i32
    %mul3A_1 = arith.constant 256 : i32
    %mul3A_2 = arith.muli %add3A, %mul3A_1 : i32
    "tpu.region"() ({
      %run_scoped3A = tpu.sem_alloc : memref<!tpu.dma_semaphore, #tpu.memory_space<semaphore_mem>>
      %dma_start3A = tpu.memref_slice %arg3[%mul3A_2] : memref<8192xi32, #tpu.memory_space<hbm>> -> memref<256xi32, #tpu.memory_space<hbm>>
      %dma_start3A_8 = tpu.memref_slice %arg3[%mul3A_2] : memref<8192xi32, #tpu.memory_space<hbm>> -> memref<256xi32, #tpu.memory_space<hbm>>
      tpu.enqueue_dma source(%dma_start3A_8 : memref<256xi32, #tpu.memory_space<hbm>>) target(%arg6 : memref<256xi32, #tpu.memory_space<vmem>>) target_semaphore(%run_scoped3A : memref<!tpu.dma_semaphore, #tpu.memory_space<semaphore_mem>>)
      %dma_wait3A = tpu.memref_slice %arg3[%mul3A_2] : memref<8192xi32, #tpu.memory_space<hbm>> -> memref<256xi32, #tpu.memory_space<hbm>>
      %dma_wait3A_9 = tpu.memref_slice %arg3[%mul3A_2] : memref<8192xi32, #tpu.memory_space<hbm>> -> memref<256xi32, #tpu.memory_space<hbm>>
      tpu.wait_dma2 semaphore(%run_scoped3A : memref<!tpu.dma_semaphore, #tpu.memory_space<semaphore_mem>>) src(%dma_wait3A_9 : memref<256xi32, #tpu.memory_space<hbm>>) dst(%arg6 : memref<256xi32, #tpu.memory_space<vmem>>)
      tpu.yield
    }) : () -> ()
    "tpu.region"() ({
      %run_scoped3A = tpu.sem_alloc : memref<!tpu.dma_semaphore, #tpu.memory_space<semaphore_mem>>
      tpu.enqueue_dma source(%arg4 : memref<1024xf32, #tpu.memory_space<hbm>>) target(%arg7 : memref<1024xf32, #tpu.memory_space<vmem>>) target_semaphore(%run_scoped3A : memref<!tpu.dma_semaphore, #tpu.memory_space<semaphore_mem>>)
      tpu.wait_dma2 semaphore(%run_scoped3A : memref<!tpu.dma_semaphore, #tpu.memory_space<semaphore_mem>>) src(%arg4 : memref<1024xf32, #tpu.memory_space<hbm>>) dst(%arg7 : memref<1024xf32, #tpu.memory_space<vmem>>)
      tpu.yield
    }) : () -> ()
    %scan3A = arith.constant 0 : i32
    %scan3A_3 = arith.constant 0 : i32
    %scan3A_4 = arith.constant 4 : i32
    %scan3A_5 = arith.addi %scan3A_3, %scan3A_4 : i32
    %scan3A_6 = arith.constant 1 : i32
    scf.for %scan3A_8 = %scan3A_3 to %scan3A_5 step %scan3A_6  : i32 {
      %mul3A_9 = arith.constant 64 : i32
      %mul3A_10 = arith.muli %scan3A_8, %mul3A_9 : i32
      %add3A_11 = arith.addi %mul3A_2, %mul3A_10 : i32
      "tpu.region"() ({
        %run_scoped3A = tpu.sem_alloc : memref<!tpu.dma_semaphore, #tpu.memory_space<semaphore_mem>>
        %dma_start3A = arith.constant 0 : i32
        %dma_start3A_17 = tpu.memref_slice %arg2[%add3A_11, %dma_start3A] : memref<8192x1024xf32, #tpu.memory_space<hbm>> -> memref<64x1024xf32, #tpu.memory_space<hbm>>
        %dma_start3A_18 = arith.constant 0 : i32
        %dma_start3A_19 = tpu.memref_slice %arg2[%add3A_11, %dma_start3A_18] : memref<8192x1024xf32, #tpu.memory_space<hbm>> -> memref<64x1024xf32, #tpu.memory_space<hbm>>
        tpu.enqueue_dma source(%dma_start3A_19 : memref<64x1024xf32, #tpu.memory_space<hbm>>) target(%arg8 : memref<64x1024xf32, #tpu.memory_space<vmem>>) target_semaphore(%run_scoped3A : memref<!tpu.dma_semaphore, #tpu.memory_space<semaphore_mem>>)
        %dma_wait3A = arith.constant 0 : i32
        %dma_wait3A_20 = tpu.memref_slice %arg2[%add3A_11, %dma_wait3A] : memref<8192x1024xf32, #tpu.memory_space<hbm>> -> memref<64x1024xf32, #tpu.memory_space<hbm>>
        %dma_wait3A_21 = arith.constant 0 : i32
        %dma_wait3A_22 = tpu.memref_slice %arg2[%add3A_11, %dma_wait3A_21] : memref<8192x1024xf32, #tpu.memory_space<hbm>> -> memref<64x1024xf32, #tpu.memory_space<hbm>>
        tpu.wait_dma2 semaphore(%run_scoped3A : memref<!tpu.dma_semaphore, #tpu.memory_space<semaphore_mem>>) src(%dma_wait3A_22 : memref<64x1024xf32, #tpu.memory_space<hbm>>) dst(%arg8 : memref<64x1024xf32, #tpu.memory_space<vmem>>)
        tpu.yield
      }) : () -> ()
      %scan3A_12 = arith.constant 0 : i32
      %scan3A_13 = arith.constant 4 : i32
      %scan3A_14 = arith.addi %scan3A_12, %scan3A_13 : i32
      %scan3A_15 = arith.constant 1 : i32
      scf.for %scan3A_17 = %scan3A_12 to %scan3A_14 step %scan3A_15  : i32 {
        %mul3A_18 = arith.constant 64 : i32
        %mul3A_19 = arith.muli %scan3A_8, %mul3A_18 : i32
        %mul3A_20 = arith.constant 16 : i32
        %mul3A_21 = arith.muli %scan3A_17, %mul3A_20 : i32
        %add3A_22 = arith.addi %mul3A_19, %mul3A_21 : i32
        %get3A = arith.index_cast %add3A_22 : i32 to index
        %get3A_23 = tpu.vector_load %arg6[%get3A] {strides = array<i32>} : memref<256xi32, #tpu.memory_space<vmem>>, vector<16xi32>,
        %get3A_24 = vector.shape_cast %get3A_23 : vector<16xi32> to vector<16xi32>
        %broadcast_in_dim3A = arith.constant 1 : i32
        %broadcast_in_dim3A_25 = vector.broadcast %broadcast_in_dim3A : i32 to vector<16xi32>
        %sub3A = arith.subi %get3A_24, %broadcast_in_dim3A_25 : vector<16xi32>
        %convert_element_type3A = arith.sitofp %sub3A : vector<16xi32> to vector<16xf32>
        %scan3A_26 = arith.constant 0 : i32
        %scan3A_27 = arith.constant 16 : i32
        %scan3A_28 = arith.addi %scan3A_26, %scan3A_27 : i32
        %scan3A_29 = arith.constant 1 : i32
        scf.for %scan3A_31 = %scan3A_26 to %scan3A_28 step %scan3A_29  : i32 {
          %mul3A_32 = arith.constant 16 : i32
          %mul3A_33 = arith.muli %scan3A_17, %mul3A_32 : i32
          %add3A_34 = arith.addi %mul3A_33, %scan3A_31 : i32
          %broadcast_in_dim3A_35 = vector.broadcast %scan3A_31 : i32 to vector<16x1xi32>
          %gather3A = vector.shape_cast %broadcast_in_dim3A_35 : vector<16x1xi32> to vector<16xi32>
          %gather3A_36 = tpu.dynamic_gather %convert_element_type3A[%gather3A] in [0] : vector<16xf32>, vector<16xi32> -> vector<16xf32>
          %scan3A_37 = arith.constant 0 : i32
          %scan3A_38 = arith.constant 64 : i32
          %scan3A_39 = arith.addi %scan3A_37, %scan3A_38 : i32
          %scan3A_40 = arith.constant 1 : i32
          scf.for %scan3A_42 = %scan3A_37 to %scan3A_39 step %scan3A_40  : i32 {
            %mul3A_43 = arith.constant 16 : i32
            %mul3A_44 = arith.muli %scan3A_42, %mul3A_43 : i32
            %get3A_45 = arith.index_cast %add3A_34 : i32 to index
            %get3A_46 = arith.index_cast %mul3A_44 : i32 to index
            %get3A_47 = tpu.vector_load %arg8[%get3A_45, %get3A_46] {strides = array<i32>} : memref<64x1024xf32, #tpu.memory_space<vmem>>, vector<1x16xf32>,
            %get3A_48 = vector.shape_cast %get3A_47 : vector<1x16xf32> to vector<16xf32>
            %get3A_49 = arith.index_cast %mul3A_44 : i32 to index
            %get3A_50 = tpu.vector_load %arg7[%get3A_49] {strides = array<i32>} : memref<1024xf32, #tpu.memory_space<vmem>>, vector<16xf32>,
            %get3A_51 = vector.shape_cast %get3A_50 : vector<16xf32> to vector<16xf32>
            %mul3A_52 = arith.mulf %gather3A_36, %get3A_51 : vector<16xf32>
            %add3A_53 = arith.addf %get3A_48, %mul3A_52 : vector<16xf32>
            %swap3A = arith.index_cast %add3A_34 : i32 to index
            %swap3A_54 = arith.index_cast %mul3A_44 : i32 to index
            %swap3A_55 = tpu.vector_load %arg8[%swap3A, %swap3A_54] {strides = array<i32>} : memref<64x1024xf32, #tpu.memory_space<vmem>>, vector<1x16xf32>,
            %swap3A_56 = vector.shape_cast %swap3A_55 : vector<1x16xf32> to vector<16xf32>
            %swap3A_57 = vector.shape_cast %add3A_53 : vector<16xf32> to vector<1x16xf32>
            tpu.vector_store %arg8[%swap3A, %swap3A_54], %swap3A_57 {strides = array<i32>} : memref<64x1024xf32, #tpu.memory_space<vmem>>, vector<1x16xf32>,
          }
          %scan3A_41 = arith.constant 64 : i32
        }
        %scan3A_30 = arith.constant 16 : i32
      }
      %scan3A_16 = arith.constant 4 : i32
      "tpu.region"() ({
        %run_scoped3A = tpu.sem_alloc : memref<!tpu.dma_semaphore, #tpu.memory_space<semaphore_mem>>
        %dma_start3A = arith.constant 0 : i32
        %dma_start3A_17 = tpu.memref_slice %arg5[%add3A_11, %dma_start3A] : memref<8192x1024xf32, #tpu.memory_space<hbm>> -> memref<64x1024xf32, #tpu.memory_space<hbm>>
        %dma_start3A_18 = arith.constant 0 : i32
        %dma_start3A_19 = tpu.memref_slice %arg5[%add3A_11, %dma_start3A_18] : memref<8192x1024xf32, #tpu.memory_space<hbm>> -> memref<64x1024xf32, #tpu.memory_space<hbm>>
        tpu.enqueue_dma source(%arg8 : memref<64x1024xf32, #tpu.memory_space<vmem>>) target(%dma_start3A_19 : memref<64x1024xf32, #tpu.memory_space<hbm>>) target_semaphore(%run_scoped3A : memref<!tpu.dma_semaphore, #tpu.memory_space<semaphore_mem>>)
        %dma_wait3A = arith.constant 0 : i32
        %dma_wait3A_20 = tpu.memref_slice %arg5[%add3A_11, %dma_wait3A] : memref<8192x1024xf32, #tpu.memory_space<hbm>> -> memref<64x1024xf32, #tpu.memory_space<hbm>>
        %dma_wait3A_21 = arith.constant 0 : i32
        %dma_wait3A_22 = tpu.memref_slice %arg5[%add3A_11, %dma_wait3A_21] : memref<8192x1024xf32, #tpu.memory_space<hbm>> -> memref<64x1024xf32, #tpu.memory_space<hbm>>
        tpu.wait_dma2 semaphore(%run_scoped3A : memref<!tpu.dma_semaphore, #tpu.memory_space<semaphore_mem>>) src(%arg8 : memref<64x1024xf32, #tpu.memory_space<vmem>>) dst(%dma_wait3A_22 : memref<64x1024xf32, #tpu.memory_space<hbm>>)
        tpu.yield
      }) : () -> ()
    }
    %scan3A_7 = arith.constant 4 : i32
    return
  }
}

</mosaic_0001>

<sc_bundles>
// kernel: kernel.3.cloned.1.call-start
scs
__scs_entry_jumppad:
0x0: {  	(pc) =	sbr.rel $0x88, $3  }
0x1: {  	(tag) =	ssettag $0x0;
	lr =	simm.s32 $0x1  }
0x2: {  	[smem:$0x3F9E] =	sst lr;
	_ =	strace $0xD0000000  }
0x3: {  	_ = 	snop  }
0x4: {  	_ = 	snop  }
0x5: {  	_ = 	snop  }
0x6: {  	_ = 	snop  }
0x7: {  	_ = 	snop  }
__scs_overlays_trampoline_lowered:
0x8: {  	[smem:$0x3FAD] =	sst s0  }
0x9: {  	[smem:$0x3FAE] =	sst s1  }
0xa: {  	[smem:$0x3FAF] =	sst s2  }
0xb: {  	[smem:$0x3FB0] =	sst s3  }
0xc: {  	[smem:$0x3FB1] =	sst s4  }
0xd: {  	[smem:$0x3FB2] =	sst s5  }
0xe: {  	[smem:$0x3FB3] =	sst s6  }
0xf: {  	[smem:$0x3FB4] =	sst s7  }
0x10: {  	[smem:$0x3FB5] =	sst s8  }
0x11: {  	[smem:$0x3FB6] =	sst s9;
	s0 =	simm.s32 @!p0 $0x0  }
0x12: {  	s1 =	sld [smem:$0x3F9C];
	s0 =	simm.s32 @p0 $0x1  }
0x13: {  	[smem:$0x3FB7] =	sst s0;
	s0 =	simm.s32 @!p1 $0x0  }
0x14: {  	s2 =	sld [smem:$0x3F9B];
	s0 =	simm.s32 @p1 $0x1  }
0x15: {  	[smem:$0x3FB8] =	sst s0;
	s0 =	simm.s32 @!p2 $0x0  }
0x16: {  	s3 =	sld [smem:$0x3FDB];
	s0 =	simm.s32 @p2 $0x1  }
0x17: {  	s4 =	simm.s32 $0x1BF5;
	[smem:$0x3FBA] =	sst s0  }
0x18: {  	s0 =	sld [smem:$0x3F9D];
	_ =	swait.ge [sflag:s4], $0x0  }
0x19: {  	s7 =	sld [smem:$0x3F9E]  }
0x1a: {  	s8 =	sadd.s32 $0xFFFFE003, lr  }
0x1b: {  	s9 =	sadd.s32 $0xFFFFFEF7, lr;
	s5 =	simm.s32 $0xFFFFFFFF;
	p2 =	slt.u32 s8, $0xFFFFF086  }
0x1c: {  	p1 =	slt.u32 s9, $0xF7A;
	s5 =	simm.s32 @!p2 $0x0  }
0x1d: {  	s5 =	simm.s32 @p1 $0x1;
	p0 =	seq.s32 s7, s2  }
0x1e: {  	s7 =	smul.u32 @!p0 $0xF7A, s2;
	p2 =	seq.s32 @!p0 s5, $0x0  }
0x1f: {  	s9 =	smul.u32 $0xF7A, s1;
	s8 =	simm.s32 @!p0 $0x1BF5;
	p2 =	por !p2, p0  }
0x20: {  	[sflag:s8] =	ssyncset.s32 @!p0 $0xFFFFF086;
	s6 =	sadd.s32 @!p0 s3, s7;
	s7 =	simm.s32 @!p0 $0x108  }
0x21: {  	s3 =	sadd.s32 s3, s9;
	s6 =	sadd.s32 @!p0 $0x88, s6;
	s7 =	simm.s32 @p2 $0x1082  }
0x22: {  	[simem:s7], [sflag:s8] =	dma.local @!p0 [hbm:s6], $0xF7A  }
0x23: {  	s9 =	sor.u32 $0xD0000000, s2;
	s6 =	simm.s32 $0x108;
	_ =	swait.ge @!p0 [sflag:s8], $0x0  }
0x24: {  	s3 =	sadd.s32 $0x88, s3;
	s6 =	simm.s32 @!p1 $0x1082;
	[sflag:s4] =	ssyncset.s32 $0xFFFFF086  }
0x25: {  	[simem:s6], [sflag:s4] =	dma.local [hbm:s3], $0xF7A  }
0x26: {  	[smem:$0x3F9E] =	sst s1;
	(tag) =	ssettag s2;
	_ =	strace s9  }
0x27: {  	s1 =	sld [smem:$0x3FAE]  }
0x28: {  	s2 =	sld [smem:$0x3FAF]  }
0x29: {  	s4 =	sld [smem:$0x3FB1]  }
0x2a: {  	p0 =	seq.s32 s5, $0x0;
	s5 =	sld [smem:$0x3FB2]  }
0x2b: {  	s6 =	sld [smem:$0x3FB3]  }
0x2c: {  	s7 =	sld [smem:$0x3FB4]  }
0x2d: {  	s3 =	simm.s32 $0x108;
	s8 =	sld [smem:$0x3FB5]  }
0x2e: {  	s3 =	simm.s32 @!p0 $0x1082;
	s9 =	sld [smem:$0x3FB6]  }
0x2f: {  	lr =	sadd.s32 s0, s3;
	s0 =	sld [smem:$0x3FAD]  }
0x30: {  	s3 =	sld [smem:$0x3FB0]  }
0x31: {  	[smem:$0x3FB9] =	sst s10  }
0x32: {  	s10 =	sld [smem:$0x3FB7];
	_ =	sdelay $0x3  }
0x33: {  	p0 =	seq.s32 s10, $0x1;
	s10 =	sld [smem:$0x3FB9];
	_ =	sdelay $0x3  }
0x34: {  	[smem:$0x3FB9] =	sst s10  }
0x35: {  	s10 =	sld [smem:$0x3FB8];
	_ =	sdelay $0x3  }
0x36: {  	p1 =	seq.s32 s10, $0x1;
	s10 =	sld [smem:$0x3FB9];
	_ =	sdelay $0x3  }
0x37: {  	[smem:$0x3FB9] =	sst s10  }
0x38: {  	s10 =	sld [smem:$0x3FBA]  }
0x39: {  	_ = 	snop;
	(pc) =	sbr.ind lr, $3  }
0x3a: {  	_ = 	snop  }
0x3b: {  	_ = 	snop  }
0x3c: {  	p2 =	seq.s32 s10, $0x1;
	s10 =	sld [smem:$0x3FB9]  }
0x3d: {  	_ =	shalt  }
0x3e: {  	_ =	shalt  }
0x3f: {  	_ =	shalt  }
0x40: {  	_ =	shalt  }
0x41: {  	_ =	shalt  }
0x42: {  	_ =	shalt  }
0x43: {  	_ =	shalt  }
0x44: {  	_ =	shalt  }
0x45: {  	_ =	shalt  }
0x46: {  	_ =	shalt  }
0x47: {  	_ =	shalt  }
0x48: {  	_ =	shalt  }
0x49: {  	_ =	shalt  }
0x4a: {  	_ =	shalt  }
0x4b: {  	_ =	shalt  }
0x4c: {  	_ =	shalt  }
0x4d: {  	_ =	shalt  }
0x4e: {  	_ =	shalt  }
0x4f: {  	_ =	shalt  }
0x50: {  	_ =	shalt  }
0x51: {  	_ =	shalt  }
0x52: {  	_ =	shalt  }
0x53: {  	_ =	shalt  }
0x54: {  	_ =	shalt  }
0x55: {  	_ =	shalt  }
0x56: {  	_ =	shalt  }
0x57: {  	_ =	shalt  }
0x58: {  	_ =	shalt  }
0x59: {  	_ =	shalt  }
0x5a: {  	_ =	shalt  }
0x5b: {  	_ =	shalt  }
0x5c: {  	_ =	shalt  }
0x5d: {  	_ =	shalt  }
0x5e: {  	_ =	shalt  }
0x5f: {  	_ =	shalt  }
0x60: {  	_ =	shalt  }
0x61: {  	_ =	shalt  }
0x62: {  	_ =	shalt  }
0x63: {  	_ =	shalt  }
0x64: {  	_ =	shalt  }
0x65: {  	_ =	shalt  }
0x66: {  	_ =	shalt  }
0x67: {  	_ =	shalt  }
0x68: {  	_ =	shalt  }
0x69: {  	_ =	shalt  }
0x6a: {  	_ =	shalt  }
0x6b: {  	_ =	shalt  }
0x6c: {  	_ =	shalt  }
0x6d: {  	_ =	shalt  }
0x6e: {  	_ =	shalt  }
0x6f: {  	_ =	shalt  }
0x70: {  	_ =	shalt  }
0x71: {  	_ =	shalt  }
0x72: {  	_ =	shalt  }
0x73: {  	_ =	shalt  }
0x74: {  	_ =	shalt  }
0x75: {  	_ =	shalt  }
0x76: {  	_ =	shalt  }
0x77: {  	_ =	shalt  }
0x78: {  	_ =	shalt  }
0x79: {  	_ =	shalt  }
0x7a: {  	_ =	shalt  }
0x7b: {  	_ =	shalt  }
0x7c: {  	_ =	shalt  }
0x7d: {  	_ =	shalt  }
0x7e: {  	_ =	shalt  }
0x7f: {  	_ =	shalt  }
0x80: {  	_ =	shalt  }
0x81: {  	_ =	shalt  }
0x82: {  	_ =	shalt  }
0x83: {  	_ =	shalt  }
0x84: {  	_ =	shalt  }
0x85: {  	_ =	shalt  }
0x86: {  	_ =	shalt  }
0x87: {  	_ =	shalt  }
.Lfunc_end0:
.L_simem_size_0:
called_computation_lowered:
.L_overlay_start_0:
0x88: {  	s2 =	sld [smem:$0x3FD9]  }
0x89: {  	s3 =	sld [smem:$0x3FFE];
	_ =	sdelay $0x1  }
0x8a: {  	s1 =	srdreg.scid  }
0x8b: {  	s0 =	sand.u32 $0x1, s1  }
0x8c: {  	s17 =	sshll.u32 s0, $0xA;
	s2 =	sadd.s32 s3, s2  }
0x8d: {  	s2 =	sadd.s32 s2, s17  }
0x8e: {  	[smem:$0x3FC5] =	sst s2  }
0x8f: {  	_ = 	snop  }
0x90: {  	s2 =	sld [smem:$0x3FC9]  }
0x91: {  	s18 =	sld [smem:$0x3FC7]  }
0x92: {  	s4 =	sld [smem:$0x3FD0];
	(tm) =	ssettm $0x1  }
0x93: {  	s5 =	sld [smem:$0x3FFB];
	_ =	sdelay $0x3  }
0x94: {  	_ =	strace s5  }
0x95: {  	s5 =	sld [smem:$0x3FFC];
	_ =	sdelay $0x3  }
0x96: {  	_ =	strace s5  }
0x97: {  	s5 =	sld [smem:$0x3FFD];
	_ =	sdelay $0x3  }
0x98: {  	_ =	strace s5  }
0x99: {  	_ =	strace $0x8FFFFFFF  }
0x9a: {  	s19 =	sld [smem:$0x3FDB];
	_ =	sdelay $0x1  }
0x9b: {  	s6 =	simm.s32 $_scs_section_size  }
0x9c: {  	s7 =	simm.s32 $_size__tile_overlayer_lowered;
	s8 =	simm.s32 $_tile_overlayer_lowered  }
0x9d: {  	s22 =	simm.s32 $0x1BFF;
	s21 =	sshll.u32 s8, $0x1;
	s5 =	sadd.s32 s6, s19  }
0x9e: {  	s9 =	simm.s32 $0x0;
	s20 =	sshll.u32 s7, $0x1;
	s7 =	sadd.s32 s21, s5  }
0x9f: {  	[timem:s9], [sflag:s22] =	dma.local [hbm:s7], s20  }
0xa0: {  	_ =	swait.ge [sflag:s22], s20  }
0xa1: {  	s6 =	ssub.s32 $0x0, s20;
	[sflag:s22] =	ssyncset.done $0x0  }
0xa2: {  	[sflag:s22] =	ssyncadd.s32 s6;
	_ =	sdelay $0x1  }
0xa3: {  	s23 =	simm.s32 $0x1B8B  }
0xa4: {  	_ =	swait.ge [sflag:s23], $0x1  }
0xa5: {  	[sflag:s23] =	ssyncset.done $0x0  }
0xa6: {  	s25 =	simm.s32 $0x1B8E;
	s24 =	sld [smem:$0x3FFE];
	[sflag:s23] =	ssyncadd.s32 $0xFFFFFFFF  }
0xa7: {  	s26 =	simm.s32 $execute0_lowered;
	[smem:$0x3FD2] =	sst s25  }
0xa8: {  	s7 =	sshll.u32 s26, $0x1;
	_ =	strace $0x80000046;
	[dreg:$0x1] =	wrdreg $0xFFFFFFFF  }
0xa9: {  	s28 =	simm.s32 $_size_execute0_lowered;
	s5 =	sadd.s32 s5, s7;
	[dreg:$0x0] =	wrdreg $0x0  }
0xaa: {  	s7 =	sshll.u32 s28, $0x1;
	[dreg:$0x2] =	wrdreg s5  }
0xab: {  	[dreg:$0x3] =	wrdreg s7  }
0xac: {  	[dreg:$0x4] =	wrdreg $0xC0  }
0xad: {  	_ =	task [dreg:s9], $0x5FFFF  }
0xae: {  	[dreg:$0x1] =	wrdreg $0xFFFFFFFF  }
0xaf: {  	[dreg:$0x0] =	wrdreg $0x60  }
0xb0: {  	[dreg:$0x2] =	wrdreg s2  }
0xb1: {  	[dreg:$0x3] =	wrdreg s24  }
0xb2: {  	[dreg:$0x4] =	wrdreg s18  }
0xb3: {  	[dreg:$0x5] =	wrdreg s4  }
0xb4: {  	[dreg:$0x6] =	wrdreg $0x9  }
0xb5: {  	_ =	task.clear_ibuf [dreg:s9], $0x7FFFF;
	_ =	strace $0x90000046  }
0xb6: {  	s29 =	simm.s32 $0x9;
	_ =	strace $0x80000048  }
0xb7: {  	_ =	swait.ge [sflag:s29], $0x1  }
0xb8: {  	[sflag:s29] =	ssyncadd.s32 $0xFFFFFFFF  }
0xb9: {  	_ =	strace $0x90000048  }
0xba: {  	_ =	sfence  }
0xbb: {  	s30 =	sld [smem:$0x0];
	_ =	sdelay $0x2  }
0xbc: {  	s31 =	sshll.u32 s1, $0xD;
	s1 =	sshrl.u32 s1, $0x2  }
0xbd: {  	s3 =	sand.u32 $0x4000, s31;
	s1 =	sadd.s32 s1, s30  }
0xbe: {  	s0 =	sor.u32 s3, s0;
	s1 =	sshll.u32 s1, $0x11  }
0xbf: {  	s0 =	sor.u32 s1, s0  }
0xc0: {  	s0 =	sadd.s32 $0x8F2B, s0  }
0xc1: {  	[sflag:s0] =	ssyncadd.remote.s32 $0x1  }
0xc2: {  	_ =	sfence.sel $0xFFFF  }
0xc3: {  	[dreg:$0x0] =	wrdreg $0xFFFFFFFF;
	(pc) =	sbr.abs _section_cstart, $3  }
0xc4: {  	[dreg:$0x1] =	wrdreg $0xFFFFFFFF  }
0xc5: {  	_ =	task.clear_ibuf [dreg:s9], $0x2FFFF;
	_ =	strace $0x9FFFFFFF  }
0xc6: {  	(tm) =	ssettm $0x7FFFFFFF  }
0xc7: {  	_ =	shalt  }
tec
execute0_lowered:
.L_overlay_start_1:
0x0: {  	(tag) =	ssettag $0x1  }
0x1: {  	s0 =	rddreg [dreg:$0x0]  }
0x2: {  	s7 =	rddreg [dreg:$0x1]  }
0x3: {  	s3 =	rddreg [dreg:$0x2];
	s1 =	srdreg.scid  }
0x4: {  	s4 =	rddreg [dreg:$0x3];
	s2 =	stileid.u32;
	s5 =	simm.s32 $0x0  }
0x5: {  	s11 =	simm.s32 $0x500;
	s12 =	simm.s32 $0x0;
	s8 =	sand.u32 $0x1, s1  }
0x6: {  	s1 =	rddreg [dreg:$0x4];
	s6 =	sshll.u32 s2, $0x9;
	s9 =	sshll.u32 s8, $0x8  }
0x7: {  	[smem:$0x7FF] =	sst s5;
	s8 =	ssub.s32 $0x2, s8;
	s6 =	sor.u32 s9, s6  }
0x8: {  	_ =	strace $0x80000047;
	s10 =	sshrl.u32 s8, $0x1;
	s9 =	sshrl.u32 s6, $0x3  }
0x9: {  	s8 =	ssub.s32 s8, s10;
	s10 =	simm.s32 $0x100;
	s7 =	sadd.s32 s9, s7  }
0xa: {  	s8 =	smax.u32 s8, $0x1;
	s9 =	simm.s32 $0x1;
	s7 =	sadd.s32 $0x800, s7  }
.LBB2_1:
0xb: {  	[tilespmem:s5], [sflag:$0x1] =	stream.linear.gather [hbm4b:s7+s5], $0x100, $0x38;
	[tilespmem:$0x10500] =	vst v63  }
0xc: {  	_ =	swait.ge [sflag:s9], $0x100  }
0xd: {  	[sflag:s9] =	ssyncset.done $0x0  }
0xe: {  	[sflag:s9] =	ssyncadd.s32 $0xFFFFFF00  }
0xf: {  	[tilespmem:s10], [sflag:$0x1] =	stream.linear.gather [hbm4b:s3+s5], $0x400, $0x38;
	[tilespmem:$0x10500] =	vst v63  }
0x10: {  	_ =	swait.ge [sflag:s9], $0x400  }
0x11: {  	[sflag:s9] =	ssyncset.done $0x0  }
0x12: {  	s13 =	simm.s32 $0x0;
	[sflag:s9] =	ssyncadd.s32 $0xFFFFFC00  }
.LBB2_2:
0x13: {  	s16 =	sshll.u32 s13, $0x6  }
0x14: {  	s14 =	sor.u32 s6, s16  }
0x15: {  	s14 =	sshll.u32 s14, $0x7  }
0x16: {  	s15 =	simm.s32 $0x0;
	s17 =	sadd.s32 s0, s14  }
0x17: {  	[tilespmem:s11], [sflag:$0x1] =	stream.linear.gather [hbm4b:s17+s15], $0x10000, $0x38;
	[tilespmem:$0x10500] =	vst v63  }
0x18: {  	_ =	swait.ge [sflag:s9], $0x10000  }
0x19: {  	[sflag:s9] =	ssyncset.done $0x0  }
0x1a: {  	v0 =	vmov s16;
	[sflag:s9] =	ssyncadd.s32 $0xFFFF0000  }
.LBB2_3:
0x1b: {  	_ =	sdelay $0x2  }
0x1c: {  	s16 =	sshll.u32 s15, $0x4  }
0x1d: {  	v1 =	vld.idx.msk [tilespmem:v0+s16+$0x0 ss:$0x1], $0xffff;
	_ =	sdelay $0x4  }
0x1e: {  	v1 =	vadd.s32 $0xFFFFFFFF, v1  }
0x1f: {  	s17 =	simm.s32 $0x0;
	v1 =	vcvt.s32.f32 v1  }
.LBB2_4:
0x20: {  	s19 =	sand.u32 $0x8, s17;
	s20 =	simm.s32 $0x0  }
0x21: {  	s20 =	sor.u32 s20, s19  }
0x22: {  	s21 =	sshll.u32 s17, $0x7;
	s20 =	sadd.s32 s16, s20  }
0x23: {  	s18 =	simm.s32 $0x100;
	s21 =	sand.u32 $0x380, s21;
	s22 =	sshll.u32 s20, $0xA  }
0x24: {  	s20 =	sadd.s32 $0x500, s21;
	s21 =	simm.s32 $0x0;
	s22 =	sand.u32 $0x3FFFFC00, s22  }
0x25: {  	v4 =	vld [tilespmem:s18+$0x0];
	s23 =	sand.u32 $0x70, s21;
	s22 =	sadd.s32 s22, s20  }
0x26: {  	s22 =	sadd.s32 s23, s22  }
0x27: {  	v2 =	vmov s17;
	v3 =	vld [tilespmem:s22+$0x0]  }
0x28: {  	v2 =	vperm.xlane v1, v2;
	_ =	sdelay $0x1  }
0x29: {  	s24 =	simm.s32 $0x0;
	s23 =	simm.s32 $0x2;
	v4 =	vmul.f32 v4, v2  }
.LBB2_5:
0x2a: {  	p0 =	sne.s32 s23, $0x3F;
	s24 =	sor.u32 s24, s19  }
0x2b: {  	s24 =	sadd.s32 s16, s24;
	v3 =	vadd.f32 v4, v3  }
0x2c: {  	s24 =	sshll.u32 s24, $0xA  }
0x2d: {  	s18 =	sadd.s32 $0x10, s18;
	s21 =	sadd.s32 $0x10, s21;
	s24 =	sand.u32 $0x3FFFFC00, s24;
	[tilespmem:s22+$0x0] =	vst v3  }
0x2e: {  	s22 =	sand.u32 $0x70, s21;
	s24 =	sadd.s32 s24, s20;
	v4 =	vld [tilespmem:s18+$0x0]  }
.Ltmp0:
0x2f: {  	s22 =	sadd.s32 s22, s24;
	(pc) =	sbr.rel @p0 .LBB2_5-.Ltmp0, $2  }
0x30: {  	v3 =	vld [tilespmem:s22+$0x0];
	_ =	sdelay $0x2  }
0x31: {  	s24 =	sshrl.u32 s23, $0x3;
	s23 =	sadd.s32 $0x1, s23;
	v4 =	vmul.f32 v4, v2  }
0x32: {  	s19 =	sor.u32 s24, s19  }
0x33: {  	s19 =	sadd.s32 s16, s19;
	v3 =	vadd.f32 v4, v3  }
0x34: {  	s19 =	sshll.u32 s19, $0xA  }
0x35: {  	s18 =	sadd.s32 $0x10, s18;
	s21 =	sadd.s32 $0x10, s21;
	s19 =	sand.u32 $0x3FFFFC00, s19;
	[tilespmem:s22+$0x0] =	vst v3  }
0x36: {  	s21 =	sand.u32 $0x70, s21;
	s19 =	sadd.s32 s19, s20;
	v3 =	vld [tilespmem:s18+$0x0]  }
0x37: {  	s31 =	sadd.s32 s21, s19  }
0x38: {  	v63 =	vld [tilespmem:s31+$0x0]  }
0x39: {  	s17 =	sadd.s32 $0x1, s17  }
0x3a: {  	p0 =	sne.s32 s17, $0x10  }
.Ltmp1:
0x3b: {  	v2 =	vmul.f32 v3, v2;
	(pc) =	sbr.rel @p0 .LBB2_4-.Ltmp1, $3  }
0x3c: {  	_ = 	snop  }
0x3d: {  	v2 =	vadd.f32 v2, v63;
	_ =	sdelay $0x1  }
0x3e: {  	[tilespmem:s31+$0x0] =	vst v2  }
0x3f: {  	s15 =	sadd.s32 $0x1, s15  }
0x40: {  	p0 =	sne.s32 s15, $0x4  }
.Ltmp2:
0x41: {  	_ = 	snop;
	(pc) =	sbr.rel @p0 .LBB2_3-.Ltmp2, $1  }
0x42: {  	_ =	sdelay $0x3  }
0x43: {  	s13 =	sadd.s32 $0x1, s13  }
0x44: {  	p0 =	sne.s32 s13, $0x4  }
.Ltmp3:
0x45: {  	s14 =	sadd.s32 s4, s14;
	(pc) =	sbr.rel @p0 .LBB2_2-.Ltmp3, $4  }
0x46: {  	[hbm4b:s14+s5] =	stream.linear.scatter [tilespmem:s11], [sflag:$0x1], $0x10000, $0x38;
	[tilespmem:$0x10500] =	vst v63  }
0x47: {  	_ =	swait.ge [sflag:s9], $0x10000  }
0x48: {  	[sflag:s9] =	ssyncset.done $0x0  }
0x49: {  	[sflag:s9] =	ssyncadd.s32 $0xFFFF0000  }
0x4a: {  	s12 =	sadd.s32 $0x1, s12  }
0x4b: {  	p0 =	sne.s32 s12, s8  }
.Ltmp4:
0x4c: {  	_ = 	snop;
	(pc) =	sbr.rel @p0 .LBB2_1-.Ltmp4, $1  }
0x4d: {  	_ =	sdelay $0x3  }
0x4e: {  	_ =	sfence.sel $0x180000  }
0x4f: {  	[bflag:$0x0] =	sbarrier.arrive $0xFFFF  }
0x50: {  	p0 =	sne.s32 s2, $0x0;
	_ =	strace $0x90000047  }
0x51: {  	s0 =	sadd.s32 @!p0 $0x100000, s1;
	[bflag:$0x2] =	sbarrier.arrive $0xFFFF  }
0x52: {  	[sflag:s0] =	ssyncadd.tile.s32 @!p0 $0x1;
	_ =	shalt  }
.Lfunc_end2:
_tile_overlayer_lowered:
.L_overlay_start_2:
0x53: {  	(tag) =	ssettag $0x2  }
0x54: {  	s0 =	rddreg [dreg:$0x0];
	s2 =	stileid.u32  }
0x55: {  	s1 =	rddreg [dreg:$0x1];
	p0 =	sne.s32 s2, $0x0  }
0x56: {  	s3 =	rddreg [dreg:$0x2];
	[bflag:$0x3] =	sbarrier.arrive $0xFFFF;
	s2 =	simm.s32 @!p0 $0x1C01  }
0x57: {  	[timem:s3], [sflag:s2] =	dma.local @!p0 [hbm:s0], s1  }
0x58: {  	s0 =	simm.s32 @!p0 $0x1  }
0x59: {  	_ =	swait.ge @!p0 [sflag:s0], s1  }
0x5a: {  	s1 =	ssub.s32 @!p0 $0x0, s1;
	[sflag:s0] =	ssyncset.done @!p0 $0x0  }
0x5b: {  	[sflag:s0] =	ssyncadd.s32 @!p0 s1  }
0x5c: {  	[bflag:$0x3] =	sbarrier.arrive $0xFFFF  }
0x5d: {  	_ =	shalt  }

</sc_bundles>
